<compile_context>
chip_gen: v7x
topology: tpu7x:2x2x1
jax: 0.10.2.dev20260603
libtpu: 0.0.44.dev20260713+nightly
codegen_flags: <defaults>
</compile_context>

<pallas_src>
import functools

import jax
import jax.numpy as jnp
from jax import lax
from jax.experimental import pallas as pl
from jax.experimental.pallas import tpu as pltpu
from jax.experimental.pallas import tpu_sc as plsc

D_MODEL = 1024
NUM_EMB = 4

_NC, _NS = 2, 16
_NW = _NC * _NS
_G = 16


@functools.lru_cache(maxsize=None)
def _make_lookup(B: int, D: int, V: int):
    assert B % (_G * _NW) == 0
    b_per_w = B // _NW
    n_groups = b_per_w // _G
    mesh = plsc.VectorSubcoreMesh(core_axis_name="c", subcore_axis_name="s")

    @functools.partial(
        pl.kernel,
        mesh=mesh,
        out_type=jax.ShapeDtypeStruct((B * D,), jnp.float32),
        scratch_types=[
            pltpu.VMEM((V * D,), jnp.float32),
            pltpu.VMEM((b_per_w,), jnp.int32),
            pltpu.VMEM((64 * D,), jnp.float32),
            pltpu.SemaphoreType.DMA,
        ],
    )
    def lookup(table_hbm, idx_hbm, out_hbm, table_v, idx_v, fake_v, wsem):
        wid = lax.axis_index("s") * _NC + lax.axis_index("c")
        base = wid * b_per_w
        pltpu.sync_copy(table_hbm, table_v)
        pltpu.sync_copy(idx_hbm.at[pl.ds(base, b_per_w)], idx_v)

        def group(g, carry):
            ids16 = idx_v[pl.ds(g * _G, _G)]
            row0 = base + g * _G
            for r in range(_G):
                pltpu.async_copy(
                    table_v.at[pl.ds(ids16[r] * D, D)],
                    out_hbm.at[pl.ds((row0 + r) * D, D)],
                    wsem,
                )
            return carry

        lax.fori_loop(0, n_groups, group, 0)

        def drain(i, carry):
            pltpu.make_async_copy(
                out_hbm.at[pl.ds(base * D, 64 * D)], fake_v, wsem
            ).wait()
            return carry

        lax.fori_loop(0, b_per_w // 64, drain, 0)

    return lookup


def kernel(class_ids, W):
    ids = class_ids.reshape(-1).astype(jnp.int32)
    out = _make_lookup(ids.shape[0], W.shape[1], W.shape[0])(W.reshape(-1), ids)
    return out.reshape(class_ids.shape + (W.shape[1],))

# --- scband reference (transcript-rebuilt; emitter-appended) ---
"""Pipeline reference for scband-modality-embeddings-35794257445499 (READ-ONLY COPY).

The authoritative reference and input builder live on the scoring server;
editing this copy changes nothing except your own understanding.
"""

import jax, jax.numpy as jnp
import numpy as np

D_MODEL = 1024
NUM_EMB = 4

def setup_inputs(seed: int = 0) -> dict:
    key = jax.random.key(seed)
    k1, k2 = jax.random.split(key)
    class_ids = jax.random.randint(k1, (4, 8192), 0, NUM_EMB, dtype=jnp.int64 if jax.config.jax_enable_x64 else jnp.int32)
    # nn.Embedding default init: N(0, 1)
    W = jax.random.normal(k2, (NUM_EMB, D_MODEL), dtype=jnp.float32)
    return {"class_ids": class_ids, "W": W}

def reference(class_ids, W):
    # Faithful translation of nn.Embedding forward: row gather from the table.
    return jnp.take(W, class_ids, axis=0)

if __name__ == "__main__":
    import jax
    _d = setup_inputs()
    print(jax.jit(kernel)(*tuple(_d.values())))

</pallas_src>

<mosaic_0001>
#map = affine_map<(d0, d1) -> (0)>
module attributes {stable_mosaic.version = 14 : i64} {
  func.func @lookup(%arg0: i32, %arg1: i32, %arg2: memref<4096xf32, #tpu.memory_space<hbm>>, %arg3: memref<32768xi32, #tpu.memory_space<hbm>>, %arg4: memref<33554432xf32, #tpu.memory_space<hbm>>, %arg5: memref<4096xf32, #tpu.memory_space<vmem>>, %arg6: memref<1024xi32, #tpu.memory_space<vmem>>, %arg7: memref<65536xf32, #tpu.memory_space<vmem>>, %arg8: memref<!tpu.dma_semaphore, #tpu.memory_space<semaphore_mem>>) attributes {dimension_semantics = [#tpu.dimension_semantics<core_parallel>, #tpu.dimension_semantics<subcore_parallel>], iteration_bounds = array<i64: 2, 16>, scalar_prefetch = 0 : i64, scratch_operands = 4 : i64, tpu.core_type = #tpu.core_type<sc_vector_subcore>, window_params = [{transform_indices = #map}, {transform_indices = #map}, {transform_indices = #map}]} {
    %mul3A = arith.constant 2 : i32
    %mul3A_0 = arith.muli %arg1, %mul3A : i32
    %add3A = arith.addi %mul3A_0, %arg0 : i32
    %mul3A_1 = arith.constant 1024 : i32
    %mul3A_2 = arith.muli %add3A, %mul3A_1 : i32
    "tpu.region"() ({
      %run_scoped3A = tpu.sem_alloc : memref<!tpu.dma_semaphore, #tpu.memory_space<semaphore_mem>>
      tpu.enqueue_dma source(%arg2 : memref<4096xf32, #tpu.memory_space<hbm>>) target(%arg5 : memref<4096xf32, #tpu.memory_space<vmem>>) target_semaphore(%run_scoped3A : memref<!tpu.dma_semaphore, #tpu.memory_space<semaphore_mem>>)
      tpu.wait_dma2 semaphore(%run_scoped3A : memref<!tpu.dma_semaphore, #tpu.memory_space<semaphore_mem>>) src(%arg2 : memref<4096xf32, #tpu.memory_space<hbm>>) dst(%arg5 : memref<4096xf32, #tpu.memory_space<vmem>>)
      tpu.yield
    }) : () -> ()
    "tpu.region"() ({
      %run_scoped3A = tpu.sem_alloc : memref<!tpu.dma_semaphore, #tpu.memory_space<semaphore_mem>>
      %dma_start3A = tpu.memref_slice %arg3[%mul3A_2] : memref<32768xi32, #tpu.memory_space<hbm>> -> memref<1024xi32, #tpu.memory_space<hbm>>
      %dma_start3A_14 = tpu.memref_slice %arg3[%mul3A_2] : memref<32768xi32, #tpu.memory_space<hbm>> -> memref<1024xi32, #tpu.memory_space<hbm>>
      tpu.enqueue_dma source(%dma_start3A_14 : memref<1024xi32, #tpu.memory_space<hbm>>) target(%arg6 : memref<1024xi32, #tpu.memory_space<vmem>>) target_semaphore(%run_scoped3A : memref<!tpu.dma_semaphore, #tpu.memory_space<semaphore_mem>>)
      %dma_wait3A = tpu.memref_slice %arg3[%mul3A_2] : memref<32768xi32, #tpu.memory_space<hbm>> -> memref<1024xi32, #tpu.memory_space<hbm>>
      %dma_wait3A_15 = tpu.memref_slice %arg3[%mul3A_2] : memref<32768xi32, #tpu.memory_space<hbm>> -> memref<1024xi32, #tpu.memory_space<hbm>>
      tpu.wait_dma2 semaphore(%run_scoped3A : memref<!tpu.dma_semaphore, #tpu.memory_space<semaphore_mem>>) src(%dma_wait3A_15 : memref<1024xi32, #tpu.memory_space<hbm>>) dst(%arg6 : memref<1024xi32, #tpu.memory_space<vmem>>)
      tpu.yield
    }) : () -> ()
    %scan3A = arith.constant 0 : i32
    %scan3A_3 = arith.constant 0 : i32
    %scan3A_4 = arith.constant 64 : i32
    %scan3A_5 = arith.addi %scan3A_3, %scan3A_4 : i32
    %scan3A_6 = arith.constant 1 : i32
    scf.for %scan3A_14 = %scan3A_3 to %scan3A_5 step %scan3A_6  : i32 {
      %mul3A_15 = arith.constant 16 : i32
      %mul3A_16 = arith.muli %scan3A_14, %mul3A_15 : i32
      %get3A = arith.index_cast %mul3A_16 : i32 to index
      %get3A_17 = tpu.vector_load %arg6[%get3A] {strides = array<i32>} : memref<1024xi32, #tpu.memory_space<vmem>>, vector<16xi32>,
      %get3A_18 = vector.shape_cast %get3A_17 : vector<16xi32> to vector<16xi32>
      %mul3A_19 = arith.constant 16 : i32
      %mul3A_20 = arith.muli %scan3A_14, %mul3A_19 : i32
      %add3A_21 = arith.addi %mul3A_2, %mul3A_20 : i32
      %slice3A = vector.extract_strided_slice %get3A_18 {offsets = [0], sizes = [1], strides = [1]} : vector<16xi32> to vector<1xi32>
      %squeeze3A = vector.extract %slice3A[0] : i32 from vector<1xi32>
      %mul3A_22 = arith.constant 1024 : i32
      %mul3A_23 = arith.muli %squeeze3A, %mul3A_22 : i32
      %add3A_24 = arith.constant 0 : i32
      %add3A_25 = arith.addi %add3A_21, %add3A_24 : i32
      %mul3A_26 = arith.constant 1024 : i32
      %mul3A_27 = arith.muli %add3A_25, %mul3A_26 : i32
      %dma_start3A = tpu.memref_slice %arg5[%mul3A_23] : memref<4096xf32, #tpu.memory_space<vmem>> -> memref<1024xf32, #tpu.memory_space<vmem>>
      %dma_start3A_28 = tpu.memref_slice %arg4[%mul3A_27] : memref<33554432xf32, #tpu.memory_space<hbm>> -> memref<1024xf32, #tpu.memory_space<hbm>>
      %dma_start3A_29 = tpu.memref_slice %arg4[%mul3A_27] : memref<33554432xf32, #tpu.memory_space<hbm>> -> memref<1024xf32, #tpu.memory_space<hbm>>
      %dma_start3A_30 = tpu.memref_slice %arg5[%mul3A_23] : memref<4096xf32, #tpu.memory_space<vmem>> -> memref<1024xf32, #tpu.memory_space<vmem>>
      tpu.enqueue_dma source(%dma_start3A_30 : memref<1024xf32, #tpu.memory_space<vmem>>) target(%dma_start3A_29 : memref<1024xf32, #tpu.memory_space<hbm>>) target_semaphore(%arg8 : memref<!tpu.dma_semaphore, #tpu.memory_space<semaphore_mem>>)
      %slice3A_31 = vector.extract_strided_slice %get3A_18 {offsets = [1], sizes = [1], strides = [1]} : vector<16xi32> to vector<1xi32>
      %squeeze3A_32 = vector.extract %slice3A_31[0] : i32 from vector<1xi32>
      %mul3A_33 = arith.constant 1024 : i32
      %mul3A_34 = arith.muli %squeeze3A_32, %mul3A_33 : i32
      %add3A_35 = arith.constant 1 : i32
      %add3A_36 = arith.addi %add3A_21, %add3A_35 : i32
      %mul3A_37 = arith.constant 1024 : i32
      %mul3A_38 = arith.muli %add3A_36, %mul3A_37 : i32
      %dma_start3A_39 = tpu.memref_slice %arg5[%mul3A_34] : memref<4096xf32, #tpu.memory_space<vmem>> -> memref<1024xf32, #tpu.memory_space<vmem>>
      %dma_start3A_40 = tpu.memref_slice %arg4[%mul3A_38] : memref<33554432xf32, #tpu.memory_space<hbm>> -> memref<1024xf32, #tpu.memory_space<hbm>>
      %dma_start3A_41 = tpu.memref_slice %arg4[%mul3A_38] : memref<33554432xf32, #tpu.memory_space<hbm>> -> memref<1024xf32, #tpu.memory_space<hbm>>
      %dma_start3A_42 = tpu.memref_slice %arg5[%mul3A_34] : memref<4096xf32, #tpu.memory_space<vmem>> -> memref<1024xf32, #tpu.memory_space<vmem>>
      tpu.enqueue_dma source(%dma_start3A_42 : memref<1024xf32, #tpu.memory_space<vmem>>) target(%dma_start3A_41 : memref<1024xf32, #tpu.memory_space<hbm>>) target_semaphore(%arg8 : memref<!tpu.dma_semaphore, #tpu.memory_space<semaphore_mem>>)
      %slice3A_43 = vector.extract_strided_slice %get3A_18 {offsets = [2], sizes = [1], strides = [1]} : vector<16xi32> to vector<1xi32>
      %squeeze3A_44 = vector.extract %slice3A_43[0] : i32 from vector<1xi32>
      %mul3A_45 = arith.constant 1024 : i32
      %mul3A_46 = arith.muli %squeeze3A_44, %mul3A_45 : i32
      %add3A_47 = arith.constant 2 : i32
      %add3A_48 = arith.addi %add3A_21, %add3A_47 : i32
      %mul3A_49 = arith.constant 1024 : i32
      %mul3A_50 = arith.muli %add3A_48, %mul3A_49 : i32
      %dma_start3A_51 = tpu.memref_slice %arg5[%mul3A_46] : memref<4096xf32, #tpu.memory_space<vmem>> -> memref<1024xf32, #tpu.memory_space<vmem>>
      %dma_start3A_52 = tpu.memref_slice %arg4[%mul3A_50] : memref<33554432xf32, #tpu.memory_space<hbm>> -> memref<1024xf32, #tpu.memory_space<hbm>>
      %dma_start3A_53 = tpu.memref_slice %arg4[%mul3A_50] : memref<33554432xf32, #tpu.memory_space<hbm>> -> memref<1024xf32, #tpu.memory_space<hbm>>
      %dma_start3A_54 = tpu.memref_slice %arg5[%mul3A_46] : memref<4096xf32, #tpu.memory_space<vmem>> -> memref<1024xf32, #tpu.memory_space<vmem>>
      tpu.enqueue_dma source(%dma_start3A_54 : memref<1024xf32, #tpu.memory_space<vmem>>) target(%dma_start3A_53 : memref<1024xf32, #tpu.memory_space<hbm>>) target_semaphore(%arg8 : memref<!tpu.dma_semaphore, #tpu.memory_space<semaphore_mem>>)
      %slice3A_55 = vector.extract_strided_slice %get3A_18 {offsets = [3], sizes = [1], strides = [1]} : vector<16xi32> to vector<1xi32>
      %squeeze3A_56 = vector.extract %slice3A_55[0] : i32 from vector<1xi32>
      %mul3A_57 = arith.constant 1024 : i32
      %mul3A_58 = arith.muli %squeeze3A_56, %mul3A_57 : i32
      %add3A_59 = arith.constant 3 : i32
      %add3A_60 = arith.addi %add3A_21, %add3A_59 : i32
      %mul3A_61 = arith.constant 1024 : i32
      %mul3A_62 = arith.muli %add3A_60, %mul3A_61 : i32
      %dma_start3A_63 = tpu.memref_slice %arg5[%mul3A_58] : memref<4096xf32, #tpu.memory_space<vmem>> -> memref<1024xf32, #tpu.memory_space<vmem>>
      %dma_start3A_64 = tpu.memref_slice %arg4[%mul3A_62] : memref<33554432xf32, #tpu.memory_space<hbm>> -> memref<1024xf32, #tpu.memory_space<hbm>>
      %dma_start3A_65 = tpu.memref_slice %arg4[%mul3A_62] : memref<33554432xf32, #tpu.memory_space<hbm>> -> memref<1024xf32, #tpu.memory_space<hbm>>
      %dma_start3A_66 = tpu.memref_slice %arg5[%mul3A_58] : memref<4096xf32, #tpu.memory_space<vmem>> -> memref<1024xf32, #tpu.memory_space<vmem>>
      tpu.enqueue_dma source(%dma_start3A_66 : memref<1024xf32, #tpu.memory_space<vmem>>) target(%dma_start3A_65 : memref<1024xf32, #tpu.memory_space<hbm>>) target_semaphore(%arg8 : memref<!tpu.dma_semaphore, #tpu.memory_space<semaphore_mem>>)
      %slice3A_67 = vector.extract_strided_slice %get3A_18 {offsets = [4], sizes = [1], strides = [1]} : vector<16xi32> to vector<1xi32>
      %squeeze3A_68 = vector.extract %slice3A_67[0] : i32 from vector<1xi32>
      %mul3A_69 = arith.constant 1024 : i32
      %mul3A_70 = arith.muli %squeeze3A_68, %mul3A_69 : i32
      %add3A_71 = arith.constant 4 : i32
      %add3A_72 = arith.addi %add3A_21, %add3A_71 : i32
      %mul3A_73 = arith.constant 1024 : i32
      %mul3A_74 = arith.muli %add3A_72, %mul3A_73 : i32
      %dma_start3A_75 = tpu.memref_slice %arg5[%mul3A_70] : memref<4096xf32, #tpu.memory_space<vmem>> -> memref<1024xf32, #tpu.memory_space<vmem>>
      %dma_start3A_76 = tpu.memref_slice %arg4[%mul3A_74] : memref<33554432xf32, #tpu.memory_space<hbm>> -> memref<1024xf32, #tpu.memory_space<hbm>>
      %dma_start3A_77 = tpu.memref_slice %arg4[%mul3A_74] : memref<33554432xf32, #tpu.memory_space<hbm>> -> memref<1024xf32, #tpu.memory_space<hbm>>
      %dma_start3A_78 = tpu.memref_slice %arg5[%mul3A_70] : memref<4096xf32, #tpu.memory_space<vmem>> -> memref<1024xf32, #tpu.memory_space<vmem>>
      tpu.enqueue_dma source(%dma_start3A_78 : memref<1024xf32, #tpu.memory_space<vmem>>) target(%dma_start3A_77 : memref<1024xf32, #tpu.memory_space<hbm>>) target_semaphore(%arg8 : memref<!tpu.dma_semaphore, #tpu.memory_space<semaphore_mem>>)
      %slice3A_79 = vector.extract_strided_slice %get3A_18 {offsets = [5], sizes = [1], strides = [1]} : vector<16xi32> to vector<1xi32>
      %squeeze3A_80 = vector.extract %slice3A_79[0] : i32 from vector<1xi32>
      %mul3A_81 = arith.constant 1024 : i32
      %mul3A_82 = arith.muli %squeeze3A_80, %mul3A_81 : i32
      %add3A_83 = arith.constant 5 : i32
      %add3A_84 = arith.addi %add3A_21, %add3A_83 : i32
      %mul3A_85 = arith.constant 1024 : i32
      %mul3A_86 = arith.muli %add3A_84, %mul3A_85 : i32
      %dma_start3A_87 = tpu.memref_slice %arg5[%mul3A_82] : memref<4096xf32, #tpu.memory_space<vmem>> -> memref<1024xf32, #tpu.memory_space<vmem>>
      %dma_start3A_88 = tpu.memref_slice %arg4[%mul3A_86] : memref<33554432xf32, #tpu.memory_space<hbm>> -> memref<1024xf32, #tpu.memory_space<hbm>>
      %dma_start3A_89 = tpu.memref_slice %arg4[%mul3A_86] : memref<33554432xf32, #tpu.memory_space<hbm>> -> memref<1024xf32, #tpu.memory_space<hbm>>
      %dma_start3A_90 = tpu.memref_slice %arg5[%mul3A_82] : memref<4096xf32, #tpu.memory_space<vmem>> -> memref<1024xf32, #tpu.memory_space<vmem>>
      tpu.enqueue_dma source(%dma_start3A_90 : memref<1024xf32, #tpu.memory_space<vmem>>) target(%dma_start3A_89 : memref<1024xf32, #tpu.memory_space<hbm>>) target_semaphore(%arg8 : memref<!tpu.dma_semaphore, #tpu.memory_space<semaphore_mem>>)
      %slice3A_91 = vector.extract_strided_slice %get3A_18 {offsets = [6], sizes = [1], strides = [1]} : vector<16xi32> to vector<1xi32>
      %squeeze3A_92 = vector.extract %slice3A_91[0] : i32 from vector<1xi32>
      %mul3A_93 = arith.constant 1024 : i32
      %mul3A_94 = arith.muli %squeeze3A_92, %mul3A_93 : i32
      %add3A_95 = arith.constant 6 : i32
      %add3A_96 = arith.addi %add3A_21, %add3A_95 : i32
      %mul3A_97 = arith.constant 1024 : i32
      %mul3A_98 = arith.muli %add3A_96, %mul3A_97 : i32
      %dma_start3A_99 = tpu.memref_slice %arg5[%mul3A_94] : memref<4096xf32, #tpu.memory_space<vmem>> -> memref<1024xf32, #tpu.memory_space<vmem>>
      %dma_start3A_100 = tpu.memref_slice %arg4[%mul3A_98] : memref<33554432xf32, #tpu.memory_space<hbm>> -> memref<1024xf32, #tpu.memory_space<hbm>>
      %dma_start3A_101 = tpu.memref_slice %arg4[%mul3A_98] : memref<33554432xf32, #tpu.memory_space<hbm>> -> memref<1024xf32, #tpu.memory_space<hbm>>
      %dma_start3A_102 = tpu.memref_slice %arg5[%mul3A_94] : memref<4096xf32, #tpu.memory_space<vmem>> -> memref<1024xf32, #tpu.memory_space<vmem>>
      tpu.enqueue_dma source(%dma_start3A_102 : memref<1024xf32, #tpu.memory_space<vmem>>) target(%dma_start3A_101 : memref<1024xf32, #tpu.memory_space<hbm>>) target_semaphore(%arg8 : memref<!tpu.dma_semaphore, #tpu.memory_space<semaphore_mem>>)
      %slice3A_103 = vector.extract_strided_slice %get3A_18 {offsets = [7], sizes = [1], strides = [1]} : vector<16xi32> to vector<1xi32>
      %squeeze3A_104 = vector.extract %slice3A_103[0] : i32 from vector<1xi32>
      %mul3A_105 = arith.constant 1024 : i32
      %mul3A_106 = arith.muli %squeeze3A_104, %mul3A_105 : i32
      %add3A_107 = arith.constant 7 : i32
      %add3A_108 = arith.addi %add3A_21, %add3A_107 : i32
      %mul3A_109 = arith.constant 1024 : i32
      %mul3A_110 = arith.muli %add3A_108, %mul3A_109 : i32
      %dma_start3A_111 = tpu.memref_slice %arg5[%mul3A_106] : memref<4096xf32, #tpu.memory_space<vmem>> -> memref<1024xf32, #tpu.memory_space<vmem>>
      %dma_start3A_112 = tpu.memref_slice %arg4[%mul3A_110] : memref<33554432xf32, #tpu.memory_space<hbm>> -> memref<1024xf32, #tpu.memory_space<hbm>>
      %dma_start3A_113 = tpu.memref_slice %arg4[%mul3A_110] : memref<33554432xf32, #tpu.memory_space<hbm>> -> memref<1024xf32, #tpu.memory_space<hbm>>
      %dma_start3A_114 = tpu.memref_slice %arg5[%mul3A_106] : memref<4096xf32, #tpu.memory_space<vmem>> -> memref<1024xf32, #tpu.memory_space<vmem>>
      tpu.enqueue_dma source(%dma_start3A_114 : memref<1024xf32, #tpu.memory_space<vmem>>) target(%dma_start3A_113 : memref<1024xf32, #tpu.memory_space<hbm>>) target_semaphore(%arg8 : memref<!tpu.dma_semaphore, #tpu.memory_space<semaphore_mem>>)
      %slice3A_115 = vector.extract_strided_slice %get3A_18 {offsets = [8], sizes = [1], strides = [1]} : vector<16xi32> to vector<1xi32>
      %squeeze3A_116 = vector.extract %slice3A_115[0] : i32 from vector<1xi32>
      %mul3A_117 = arith.constant 1024 : i32
      %mul3A_118 = arith.muli %squeeze3A_116, %mul3A_117 : i32
      %add3A_119 = arith.constant 8 : i32
      %add3A_120 = arith.addi %add3A_21, %add3A_119 : i32
      %mul3A_121 = arith.constant 1024 : i32
      %mul3A_122 = arith.muli %add3A_120, %mul3A_121 : i32
      %dma_start3A_123 = tpu.memref_slice %arg5[%mul3A_118] : memref<4096xf32, #tpu.memory_space<vmem>> -> memref<1024xf32, #tpu.memory_space<vmem>>
      %dma_start3A_124 = tpu.memref_slice %arg4[%mul3A_122] : memref<33554432xf32, #tpu.memory_space<hbm>> -> memref<1024xf32, #tpu.memory_space<hbm>>
      %dma_start3A_125 = tpu.memref_slice %arg4[%mul3A_122] : memref<33554432xf32, #tpu.memory_space<hbm>> -> memref<1024xf32, #tpu.memory_space<hbm>>
      %dma_start3A_126 = tpu.memref_slice %arg5[%mul3A_118] : memref<4096xf32, #tpu.memory_space<vmem>> -> memref<1024xf32, #tpu.memory_space<vmem>>
      tpu.enqueue_dma source(%dma_start3A_126 : memref<1024xf32, #tpu.memory_space<vmem>>) target(%dma_start3A_125 : memref<1024xf32, #tpu.memory_space<hbm>>) target_semaphore(%arg8 : memref<!tpu.dma_semaphore, #tpu.memory_space<semaphore_mem>>)
      %slice3A_127 = vector.extract_strided_slice %get3A_18 {offsets = [9], sizes = [1], strides = [1]} : vector<16xi32> to vector<1xi32>
      %squeeze3A_128 = vector.extract %slice3A_127[0] : i32 from vector<1xi32>
      %mul3A_129 = arith.constant 1024 : i32
      %mul3A_130 = arith.muli %squeeze3A_128, %mul3A_129 : i32
      %add3A_131 = arith.constant 9 : i32
      %add3A_132 = arith.addi %add3A_21, %add3A_131 : i32
      %mul3A_133 = arith.constant 1024 : i32
      %mul3A_134 = arith.muli %add3A_132, %mul3A_133 : i32
      %dma_start3A_135 = tpu.memref_slice %arg5[%mul3A_130] : memref<4096xf32, #tpu.memory_space<vmem>> -> memref<1024xf32, #tpu.memory_space<vmem>>
      %dma_start3A_136 = tpu.memref_slice %arg4[%mul3A_134] : memref<33554432xf32, #tpu.memory_space<hbm>> -> memref<1024xf32, #tpu.memory_space<hbm>>
      %dma_start3A_137 = tpu.memref_slice %arg4[%mul3A_134] : memref<33554432xf32, #tpu.memory_space<hbm>> -> memref<1024xf32, #tpu.memory_space<hbm>>
      %dma_start3A_138 = tpu.memref_slice %arg5[%mul3A_130] : memref<4096xf32, #tpu.memory_space<vmem>> -> memref<1024xf32, #tpu.memory_space<vmem>>
      tpu.enqueue_dma source(%dma_start3A_138 : memref<1024xf32, #tpu.memory_space<vmem>>) target(%dma_start3A_137 : memref<1024xf32, #tpu.memory_space<hbm>>) target_semaphore(%arg8 : memref<!tpu.dma_semaphore, #tpu.memory_space<semaphore_mem>>)
      %slice3A_139 = vector.extract_strided_slice %get3A_18 {offsets = [10], sizes = [1], strides = [1]} : vector<16xi32> to vector<1xi32>
      %squeeze3A_140 = vector.extract %slice3A_139[0] : i32 from vector<1xi32>
      %mul3A_141 = arith.constant 1024 : i32
      %mul3A_142 = arith.muli %squeeze3A_140, %mul3A_141 : i32
      %add3A_143 = arith.constant 10 : i32
      %add3A_144 = arith.addi %add3A_21, %add3A_143 : i32
      %mul3A_145 = arith.constant 1024 : i32
      %mul3A_146 = arith.muli %add3A_144, %mul3A_145 : i32
      %dma_start3A_147 = tpu.memref_slice %arg5[%mul3A_142] : memref<4096xf32, #tpu.memory_space<vmem>> -> memref<1024xf32, #tpu.memory_space<vmem>>
      %dma_start3A_148 = tpu.memref_slice %arg4[%mul3A_146] : memref<33554432xf32, #tpu.memory_space<hbm>> -> memref<1024xf32, #tpu.memory_space<hbm>>
      %dma_start3A_149 = tpu.memref_slice %arg4[%mul3A_146] : memref<33554432xf32, #tpu.memory_space<hbm>> -> memref<1024xf32, #tpu.memory_space<hbm>>
      %dma_start3A_150 = tpu.memref_slice %arg5[%mul3A_142] : memref<4096xf32, #tpu.memory_space<vmem>> -> memref<1024xf32, #tpu.memory_space<vmem>>
      tpu.enqueue_dma source(%dma_start3A_150 : memref<1024xf32, #tpu.memory_space<vmem>>) target(%dma_start3A_149 : memref<1024xf32, #tpu.memory_space<hbm>>) target_semaphore(%arg8 : memref<!tpu.dma_semaphore, #tpu.memory_space<semaphore_mem>>)
      %slice3A_151 = vector.extract_strided_slice %get3A_18 {offsets = [11], sizes = [1], strides = [1]} : vector<16xi32> to vector<1xi32>
      %squeeze3A_152 = vector.extract %slice3A_151[0] : i32 from vector<1xi32>
      %mul3A_153 = arith.constant 1024 : i32
      %mul3A_154 = arith.muli %squeeze3A_152, %mul3A_153 : i32
      %add3A_155 = arith.constant 11 : i32
      %add3A_156 = arith.addi %add3A_21, %add3A_155 : i32
      %mul3A_157 = arith.constant 1024 : i32
      %mul3A_158 = arith.muli %add3A_156, %mul3A_157 : i32
      %dma_start3A_159 = tpu.memref_slice %arg5[%mul3A_154] : memref<4096xf32, #tpu.memory_space<vmem>> -> memref<1024xf32, #tpu.memory_space<vmem>>
      %dma_start3A_160 = tpu.memref_slice %arg4[%mul3A_158] : memref<33554432xf32, #tpu.memory_space<hbm>> -> memref<1024xf32, #tpu.memory_space<hbm>>
      %dma_start3A_161 = tpu.memref_slice %arg4[%mul3A_158] : memref<33554432xf32, #tpu.memory_space<hbm>> -> memref<1024xf32, #tpu.memory_space<hbm>>
      %dma_start3A_162 = tpu.memref_slice %arg5[%mul3A_154] : memref<4096xf32, #tpu.memory_space<vmem>> -> memref<1024xf32, #tpu.memory_space<vmem>>
      tpu.enqueue_dma source(%dma_start3A_162 : memref<1024xf32, #tpu.memory_space<vmem>>) target(%dma_start3A_161 : memref<1024xf32, #tpu.memory_space<hbm>>) target_semaphore(%arg8 : memref<!tpu.dma_semaphore, #tpu.memory_space<semaphore_mem>>)
      %slice3A_163 = vector.extract_strided_slice %get3A_18 {offsets = [12], sizes = [1], strides = [1]} : vector<16xi32> to vector<1xi32>
      %squeeze3A_164 = vector.extract %slice3A_163[0] : i32 from vector<1xi32>
      %mul3A_165 = arith.constant 1024 : i32
      %mul3A_166 = arith.muli %squeeze3A_164, %mul3A_165 : i32
      %add3A_167 = arith.constant 12 : i32
      %add3A_168 = arith.addi %add3A_21, %add3A_167 : i32
      %mul3A_169 = arith.constant 1024 : i32
      %mul3A_170 = arith.muli %add3A_168, %mul3A_169 : i32
      %dma_start3A_171 = tpu.memref_slice %arg5[%mul3A_166] : memref<4096xf32, #tpu.memory_space<vmem>> -> memref<1024xf32, #tpu.memory_space<vmem>>
      %dma_start3A_172 = tpu.memref_slice %arg4[%mul3A_170] : memref<33554432xf32, #tpu.memory_space<hbm>> -> memref<1024xf32, #tpu.memory_space<hbm>>
      %dma_start3A_173 = tpu.memref_slice %arg4[%mul3A_170] : memref<33554432xf32, #tpu.memory_space<hbm>> -> memref<1024xf32, #tpu.memory_space<hbm>>
      %dma_start3A_174 = tpu.memref_slice %arg5[%mul3A_166] : memref<4096xf32, #tpu.memory_space<vmem>> -> memref<1024xf32, #tpu.memory_space<vmem>>
      tpu.enqueue_dma source(%dma_start3A_174 : memref<1024xf32, #tpu.memory_space<vmem>>) target(%dma_start3A_173 : memref<1024xf32, #tpu.memory_space<hbm>>) target_semaphore(%arg8 : memref<!tpu.dma_semaphore, #tpu.memory_space<semaphore_mem>>)
      %slice3A_175 = vector.extract_strided_slice %get3A_18 {offsets = [13], sizes = [1], strides = [1]} : vector<16xi32> to vector<1xi32>
      %squeeze3A_176 = vector.extract %slice3A_175[0] : i32 from vector<1xi32>
      %mul3A_177 = arith.constant 1024 : i32
      %mul3A_178 = arith.muli %squeeze3A_176, %mul3A_177 : i32
      %add3A_179 = arith.constant 13 : i32
      %add3A_180 = arith.addi %add3A_21, %add3A_179 : i32
      %mul3A_181 = arith.constant 1024 : i32
      %mul3A_182 = arith.muli %add3A_180, %mul3A_181 : i32
      %dma_start3A_183 = tpu.memref_slice %arg5[%mul3A_178] : memref<4096xf32, #tpu.memory_space<vmem>> -> memref<1024xf32, #tpu.memory_space<vmem>>
      %dma_start3A_184 = tpu.memref_slice %arg4[%mul3A_182] : memref<33554432xf32, #tpu.memory_space<hbm>> -> memref<1024xf32, #tpu.memory_space<hbm>>
      %dma_start3A_185 = tpu.memref_slice %arg4[%mul3A_182] : memref<33554432xf32, #tpu.memory_space<hbm>> -> memref<1024xf32, #tpu.memory_space<hbm>>
      %dma_start3A_186 = tpu.memref_slice %arg5[%mul3A_178] : memref<4096xf32, #tpu.memory_space<vmem>> -> memref<1024xf32, #tpu.memory_space<vmem>>
      tpu.enqueue_dma source(%dma_start3A_186 : memref<1024xf32, #tpu.memory_space<vmem>>) target(%dma_start3A_185 : memref<1024xf32, #tpu.memory_space<hbm>>) target_semaphore(%arg8 : memref<!tpu.dma_semaphore, #tpu.memory_space<semaphore_mem>>)
      %slice3A_187 = vector.extract_strided_slice %get3A_18 {offsets = [14], sizes = [1], strides = [1]} : vector<16xi32> to vector<1xi32>
      %squeeze3A_188 = vector.extract %slice3A_187[0] : i32 from vector<1xi32>
      %mul3A_189 = arith.constant 1024 : i32
      %mul3A_190 = arith.muli %squeeze3A_188, %mul3A_189 : i32
      %add3A_191 = arith.constant 14 : i32
      %add3A_192 = arith.addi %add3A_21, %add3A_191 : i32
      %mul3A_193 = arith.constant 1024 : i32
      %mul3A_194 = arith.muli %add3A_192, %mul3A_193 : i32
      %dma_start3A_195 = tpu.memref_slice %arg5[%mul3A_190] : memref<4096xf32, #tpu.memory_space<vmem>> -> memref<1024xf32, #tpu.memory_space<vmem>>
      %dma_start3A_196 = tpu.memref_slice %arg4[%mul3A_194] : memref<33554432xf32, #tpu.memory_space<hbm>> -> memref<1024xf32, #tpu.memory_space<hbm>>
      %dma_start3A_197 = tpu.memref_slice %arg4[%mul3A_194] : memref<33554432xf32, #tpu.memory_space<hbm>> -> memref<1024xf32, #tpu.memory_space<hbm>>
      %dma_start3A_198 = tpu.memref_slice %arg5[%mul3A_190] : memref<4096xf32, #tpu.memory_space<vmem>> -> memref<1024xf32, #tpu.memory_space<vmem>>
      tpu.enqueue_dma source(%dma_start3A_198 : memref<1024xf32, #tpu.memory_space<vmem>>) target(%dma_start3A_197 : memref<1024xf32, #tpu.memory_space<hbm>>) target_semaphore(%arg8 : memref<!tpu.dma_semaphore, #tpu.memory_space<semaphore_mem>>)
      %slice3A_199 = vector.extract_strided_slice %get3A_18 {offsets = [15], sizes = [1], strides = [1]} : vector<16xi32> to vector<1xi32>
      %squeeze3A_200 = vector.extract %slice3A_199[0] : i32 from vector<1xi32>
      %mul3A_201 = arith.constant 1024 : i32
      %mul3A_202 = arith.muli %squeeze3A_200, %mul3A_201 : i32
      %add3A_203 = arith.constant 15 : i32
      %add3A_204 = arith.addi %add3A_21, %add3A_203 : i32
      %mul3A_205 = arith.constant 1024 : i32
      %mul3A_206 = arith.muli %add3A_204, %mul3A_205 : i32
      %dma_start3A_207 = tpu.memref_slice %arg5[%mul3A_202] : memref<4096xf32, #tpu.memory_space<vmem>> -> memref<1024xf32, #tpu.memory_space<vmem>>
      %dma_start3A_208 = tpu.memref_slice %arg4[%mul3A_206] : memref<33554432xf32, #tpu.memory_space<hbm>> -> memref<1024xf32, #tpu.memory_space<hbm>>
      %dma_start3A_209 = tpu.memref_slice %arg4[%mul3A_206] : memref<33554432xf32, #tpu.memory_space<hbm>> -> memref<1024xf32, #tpu.memory_space<hbm>>
      %dma_start3A_210 = tpu.memref_slice %arg5[%mul3A_202] : memref<4096xf32, #tpu.memory_space<vmem>> -> memref<1024xf32, #tpu.memory_space<vmem>>
      tpu.enqueue_dma source(%dma_start3A_210 : memref<1024xf32, #tpu.memory_space<vmem>>) target(%dma_start3A_209 : memref<1024xf32, #tpu.memory_space<hbm>>) target_semaphore(%arg8 : memref<!tpu.dma_semaphore, #tpu.memory_space<semaphore_mem>>)
    }
    %scan3A_7 = arith.constant 64 : i32
    %scan3A_8 = arith.constant 0 : i32
    %scan3A_9 = arith.constant 0 : i32
    %scan3A_10 = arith.constant 16 : i32
    %scan3A_11 = arith.addi %scan3A_9, %scan3A_10 : i32
    %scan3A_12 = arith.constant 1 : i32
    scf.for %scan3A_14 = %scan3A_9 to %scan3A_11 step %scan3A_12  : i32 {
      %mul3A_15 = arith.constant 1024 : i32
      %mul3A_16 = arith.muli %mul3A_2, %mul3A_15 : i32
      %dma_wait3A = tpu.memref_slice %arg4[%mul3A_16] : memref<33554432xf32, #tpu.memory_space<hbm>> -> memref<65536xf32, #tpu.memory_space<hbm>>
      %dma_wait3A_17 = tpu.memref_slice %arg4[%mul3A_16] : memref<33554432xf32, #tpu.memory_space<hbm>> -> memref<65536xf32, #tpu.memory_space<hbm>>
      tpu.wait_dma2 semaphore(%arg8 : memref<!tpu.dma_semaphore, #tpu.memory_space<semaphore_mem>>) src(%dma_wait3A_17 : memref<65536xf32, #tpu.memory_space<hbm>>) dst(%arg7 : memref<65536xf32, #tpu.memory_space<vmem>>)
    }
    %scan3A_13 = arith.constant 16 : i32
    return
  }
}

</mosaic_0001>

<sc_bundles>
// kernel: kernel.3.cloned.1.call-start
scs
__scs_entry_jumppad:
0x0: {  	(pc) =	sbr.rel $0x88, $3  }
0x1: {  	(tag) =	ssettag $0x0;
	lr =	simm.s32 $0x1  }
0x2: {  	[smem:$0x3F9F] =	sst lr;
	_ =	strace $0xD0000000  }
0x3: {  	_ = 	snop  }
0x4: {  	_ = 	snop  }
0x5: {  	_ = 	snop  }
0x6: {  	_ = 	snop  }
0x7: {  	_ = 	snop  }
__scs_overlays_trampoline_lowered:
0x8: {  	[smem:$0x3FAE] =	sst s0  }
0x9: {  	[smem:$0x3FAF] =	sst s1  }
0xa: {  	[smem:$0x3FB0] =	sst s2  }
0xb: {  	[smem:$0x3FB1] =	sst s3  }
0xc: {  	[smem:$0x3FB2] =	sst s4  }
0xd: {  	[smem:$0x3FB3] =	sst s5  }
0xe: {  	[smem:$0x3FB4] =	sst s6  }
0xf: {  	[smem:$0x3FB5] =	sst s7  }
0x10: {  	[smem:$0x3FB6] =	sst s8  }
0x11: {  	[smem:$0x3FB7] =	sst s9;
	s0 =	simm.s32 @!p0 $0x0  }
0x12: {  	s1 =	sld [smem:$0x3F9D];
	s0 =	simm.s32 @p0 $0x1  }
0x13: {  	[smem:$0x3FB8] =	sst s0;
	s0 =	simm.s32 @!p1 $0x0  }
0x14: {  	s2 =	sld [smem:$0x3F9C];
	s0 =	simm.s32 @p1 $0x1  }
0x15: {  	[smem:$0x3FB9] =	sst s0;
	s0 =	simm.s32 @!p2 $0x0  }
0x16: {  	s3 =	sld [smem:$0x3FDB];
	s0 =	simm.s32 @p2 $0x1  }
0x17: {  	s4 =	simm.s32 $0x1BF5;
	[smem:$0x3FBB] =	sst s0  }
0x18: {  	s0 =	sld [smem:$0x3F9E];
	_ =	swait.ge [sflag:s4], $0x0  }
0x19: {  	s7 =	sld [smem:$0x3F9F]  }
0x1a: {  	s8 =	sadd.s32 $0xFFFFE003, lr  }
0x1b: {  	s9 =	sadd.s32 $0xFFFFFEF7, lr;
	s5 =	simm.s32 $0xFFFFFFFF;
	p2 =	slt.u32 s8, $0xFFFFF086  }
0x1c: {  	p1 =	slt.u32 s9, $0xF7A;
	s5 =	simm.s32 @!p2 $0x0  }
0x1d: {  	s5 =	simm.s32 @p1 $0x1;
	p0 =	seq.s32 s7, s2  }
0x1e: {  	s7 =	smul.u32 @!p0 $0xF7A, s2;
	p2 =	seq.s32 @!p0 s5, $0x0  }
0x1f: {  	s9 =	smul.u32 $0xF7A, s1;
	s8 =	simm.s32 @!p0 $0x1BF5;
	p2 =	por !p2, p0  }
0x20: {  	[sflag:s8] =	ssyncset.s32 @!p0 $0xFFFFF086;
	s6 =	sadd.s32 @!p0 s3, s7;
	s7 =	simm.s32 @!p0 $0x108  }
0x21: {  	s3 =	sadd.s32 s3, s9;
	s6 =	sadd.s32 @!p0 $0x88, s6;
	s7 =	simm.s32 @p2 $0x1082  }
0x22: {  	[simem:s7], [sflag:s8] =	dma.local @!p0 [hbm:s6], $0xF7A  }
0x23: {  	s9 =	sor.u32 $0xD0000000, s2;
	s6 =	simm.s32 $0x108;
	_ =	swait.ge @!p0 [sflag:s8], $0x0  }
0x24: {  	s3 =	sadd.s32 $0x88, s3;
	s6 =	simm.s32 @!p1 $0x1082;
	[sflag:s4] =	ssyncset.s32 $0xFFFFF086  }
0x25: {  	[simem:s6], [sflag:s4] =	dma.local [hbm:s3], $0xF7A  }
0x26: {  	[smem:$0x3F9F] =	sst s1;
	(tag) =	ssettag s2;
	_ =	strace s9  }
0x27: {  	s1 =	sld [smem:$0x3FAF]  }
0x28: {  	s2 =	sld [smem:$0x3FB0]  }
0x29: {  	s4 =	sld [smem:$0x3FB2]  }
0x2a: {  	p0 =	seq.s32 s5, $0x0;
	s5 =	sld [smem:$0x3FB3]  }
0x2b: {  	s6 =	sld [smem:$0x3FB4]  }
0x2c: {  	s7 =	sld [smem:$0x3FB5]  }
0x2d: {  	s3 =	simm.s32 $0x108;
	s8 =	sld [smem:$0x3FB6]  }
0x2e: {  	s3 =	simm.s32 @!p0 $0x1082;
	s9 =	sld [smem:$0x3FB7]  }
0x2f: {  	lr =	sadd.s32 s0, s3;
	s0 =	sld [smem:$0x3FAE]  }
0x30: {  	s3 =	sld [smem:$0x3FB1]  }
0x31: {  	[smem:$0x3FBA] =	sst s10  }
0x32: {  	s10 =	sld [smem:$0x3FB8];
	_ =	sdelay $0x3  }
0x33: {  	p0 =	seq.s32 s10, $0x1;
	s10 =	sld [smem:$0x3FBA];
	_ =	sdelay $0x3  }
0x34: {  	[smem:$0x3FBA] =	sst s10  }
0x35: {  	s10 =	sld [smem:$0x3FB9];
	_ =	sdelay $0x3  }
0x36: {  	p1 =	seq.s32 s10, $0x1;
	s10 =	sld [smem:$0x3FBA];
	_ =	sdelay $0x3  }
0x37: {  	[smem:$0x3FBA] =	sst s10  }
0x38: {  	s10 =	sld [smem:$0x3FBB]  }
0x39: {  	_ = 	snop;
	(pc) =	sbr.ind lr, $3  }
0x3a: {  	_ = 	snop  }
0x3b: {  	_ = 	snop  }
0x3c: {  	p2 =	seq.s32 s10, $0x1;
	s10 =	sld [smem:$0x3FBA]  }
0x3d: {  	_ =	shalt  }
0x3e: {  	_ =	shalt  }
0x3f: {  	_ =	shalt  }
0x40: {  	_ =	shalt  }
0x41: {  	_ =	shalt  }
0x42: {  	_ =	shalt  }
0x43: {  	_ =	shalt  }
0x44: {  	_ =	shalt  }
0x45: {  	_ =	shalt  }
0x46: {  	_ =	shalt  }
0x47: {  	_ =	shalt  }
0x48: {  	_ =	shalt  }
0x49: {  	_ =	shalt  }
0x4a: {  	_ =	shalt  }
0x4b: {  	_ =	shalt  }
0x4c: {  	_ =	shalt  }
0x4d: {  	_ =	shalt  }
0x4e: {  	_ =	shalt  }
0x4f: {  	_ =	shalt  }
0x50: {  	_ =	shalt  }
0x51: {  	_ =	shalt  }
0x52: {  	_ =	shalt  }
0x53: {  	_ =	shalt  }
0x54: {  	_ =	shalt  }
0x55: {  	_ =	shalt  }
0x56: {  	_ =	shalt  }
0x57: {  	_ =	shalt  }
0x58: {  	_ =	shalt  }
0x59: {  	_ =	shalt  }
0x5a: {  	_ =	shalt  }
0x5b: {  	_ =	shalt  }
0x5c: {  	_ =	shalt  }
0x5d: {  	_ =	shalt  }
0x5e: {  	_ =	shalt  }
0x5f: {  	_ =	shalt  }
0x60: {  	_ =	shalt  }
0x61: {  	_ =	shalt  }
0x62: {  	_ =	shalt  }
0x63: {  	_ =	shalt  }
0x64: {  	_ =	shalt  }
0x65: {  	_ =	shalt  }
0x66: {  	_ =	shalt  }
0x67: {  	_ =	shalt  }
0x68: {  	_ =	shalt  }
0x69: {  	_ =	shalt  }
0x6a: {  	_ =	shalt  }
0x6b: {  	_ =	shalt  }
0x6c: {  	_ =	shalt  }
0x6d: {  	_ =	shalt  }
0x6e: {  	_ =	shalt  }
0x6f: {  	_ =	shalt  }
0x70: {  	_ =	shalt  }
0x71: {  	_ =	shalt  }
0x72: {  	_ =	shalt  }
0x73: {  	_ =	shalt  }
0x74: {  	_ =	shalt  }
0x75: {  	_ =	shalt  }
0x76: {  	_ =	shalt  }
0x77: {  	_ =	shalt  }
0x78: {  	_ =	shalt  }
0x79: {  	_ =	shalt  }
0x7a: {  	_ =	shalt  }
0x7b: {  	_ =	shalt  }
0x7c: {  	_ =	shalt  }
0x7d: {  	_ =	shalt  }
0x7e: {  	_ =	shalt  }
0x7f: {  	_ =	shalt  }
0x80: {  	_ =	shalt  }
0x81: {  	_ =	shalt  }
0x82: {  	_ =	shalt  }
0x83: {  	_ =	shalt  }
0x84: {  	_ =	shalt  }
0x85: {  	_ =	shalt  }
0x86: {  	_ =	shalt  }
0x87: {  	_ =	shalt  }
.Lfunc_end0:
.L_simem_size_0:
called_computation_lowered:
.L_overlay_start_0:
0x88: {  	s2 =	sld [smem:$0x3FD9]  }
0x89: {  	s3 =	sld [smem:$0x3FFE];
	_ =	sdelay $0x1  }
0x8a: {  	s1 =	srdreg.scid  }
0x8b: {  	s0 =	sand.u32 $0x1, s1  }
0x8c: {  	s17 =	sshll.u32 s0, $0xA;
	s2 =	sadd.s32 s3, s2  }
0x8d: {  	s2 =	sadd.s32 s2, s17  }
0x8e: {  	[smem:$0x3FC6] =	sst s2  }
0x8f: {  	_ = 	snop  }
0x90: {  	s2 =	sld [smem:$0x3FD0];
	(tm) =	ssettm $0x1  }
0x91: {  	s18 =	sld [smem:$0x3FFB];
	_ =	sdelay $0x3  }
0x92: {  	_ =	strace s18  }
0x93: {  	s3 =	sld [smem:$0x3FFC];
	_ =	sdelay $0x3  }
0x94: {  	_ =	strace s3  }
0x95: {  	s3 =	sld [smem:$0x3FFD];
	_ =	sdelay $0x3  }
0x96: {  	_ =	strace s3  }
0x97: {  	_ =	strace $0x8FFFFFFF  }
0x98: {  	s19 =	sld [smem:$0x3FDB];
	_ =	sdelay $0x1  }
0x99: {  	s4 =	simm.s32 $_scs_section_size  }
0x9a: {  	s5 =	simm.s32 $_size__tile_overlayer_lowered;
	s6 =	simm.s32 $_tile_overlayer_lowered  }
0x9b: {  	s22 =	simm.s32 $0x1BFF;
	s21 =	sshll.u32 s6, $0x1;
	s3 =	sadd.s32 s4, s19  }
0x9c: {  	s7 =	simm.s32 $0x0;
	s20 =	sshll.u32 s5, $0x1;
	s5 =	sadd.s32 s21, s3  }
0x9d: {  	[timem:s7], [sflag:s22] =	dma.local [hbm:s5], s20  }
0x9e: {  	_ =	swait.ge [sflag:s22], s20  }
0x9f: {  	s4 =	ssub.s32 $0x0, s20;
	[sflag:s22] =	ssyncset.done $0x0  }
0xa0: {  	[sflag:s22] =	ssyncadd.s32 s4;
	_ =	sdelay $0x1  }
0xa1: {  	s23 =	simm.s32 $0x1B8B  }
0xa2: {  	_ =	swait.ge [sflag:s23], $0x1  }
0xa3: {  	[sflag:s23] =	ssyncset.done $0x0  }
0xa4: {  	s25 =	simm.s32 $0x1B8E;
	s24 =	sld [smem:$0x3FFE];
	[sflag:s23] =	ssyncadd.s32 $0xFFFFFFFF  }
0xa5: {  	s26 =	simm.s32 $execute0_lowered;
	[smem:$0x3FD2] =	sst s25  }
0xa6: {  	s5 =	sshll.u32 s26, $0x1;
	_ =	strace $0x80000046;
	[dreg:$0x1] =	wrdreg $0xFFFFFFFF  }
0xa7: {  	s28 =	simm.s32 $_size_execute0_lowered;
	s3 =	sadd.s32 s3, s5;
	[dreg:$0x0] =	wrdreg $0x0  }
0xa8: {  	s5 =	sshll.u32 s28, $0x1;
	[dreg:$0x2] =	wrdreg s3  }
0xa9: {  	[dreg:$0x3] =	wrdreg s5  }
0xaa: {  	[dreg:$0x4] =	wrdreg $0xC0  }
0xab: {  	_ =	task [dreg:s7], $0x5FFFF  }
0xac: {  	[dreg:$0x1] =	wrdreg $0xFFFFFFFF  }
0xad: {  	[dreg:$0x0] =	wrdreg $0x60  }
0xae: {  	[dreg:$0x2] =	wrdreg s24  }
0xaf: {  	[dreg:$0x3] =	wrdreg s2  }
0xb0: {  	[dreg:$0x4] =	wrdreg $0x9  }
0xb1: {  	_ =	task.clear_ibuf [dreg:s7], $0x5FFFF;
	_ =	strace $0x90000046  }
0xb2: {  	s29 =	simm.s32 $0x9;
	_ =	strace $0x80000048  }
0xb3: {  	_ =	swait.ge [sflag:s29], $0x1  }
0xb4: {  	[sflag:s29] =	ssyncadd.s32 $0xFFFFFFFF  }
0xb5: {  	_ =	strace $0x90000048  }
0xb6: {  	_ =	sfence  }
0xb7: {  	s30 =	sld [smem:$0x0];
	_ =	sdelay $0x2  }
0xb8: {  	s31 =	sshll.u32 s1, $0xD;
	s1 =	sshrl.u32 s1, $0x2  }
0xb9: {  	s3 =	sand.u32 $0x4000, s31;
	s1 =	sadd.s32 s1, s30  }
0xba: {  	s0 =	sor.u32 s3, s0;
	s1 =	sshll.u32 s1, $0x11  }
0xbb: {  	s0 =	sor.u32 s1, s0  }
0xbc: {  	s0 =	sadd.s32 $0x8F2B, s0  }
0xbd: {  	[sflag:s0] =	ssyncadd.remote.s32 $0x1  }
0xbe: {  	_ =	sfence.sel $0xFFFF  }
0xbf: {  	[dreg:$0x0] =	wrdreg $0xFFFFFFFF;
	(pc) =	sbr.abs _section_cstart, $3  }
0xc0: {  	[dreg:$0x1] =	wrdreg $0xFFFFFFFF  }
0xc1: {  	_ =	task.clear_ibuf [dreg:s7], $0x2FFFF;
	_ =	strace $0x9FFFFFFF  }
0xc2: {  	(tm) =	ssettm $0x7FFFFFFF  }
0xc3: {  	_ =	shalt  }
tec
execute0_lowered:
.L_overlay_start_1:
0x0: {  	(tag) =	ssettag $0x1  }
0x1: {  	s4 =	rddreg [dreg:$0x0]  }
0x2: {  	s5 =	rddreg [dreg:$0x1]  }
0x3: {  	s0 =	rddreg [dreg:$0x2];
	s2 =	simm.s32 $0x0;
	s1 =	stileid.u32  }
0x4: {  	s3 =	srdreg.scid;
	[smem:$0x7FF] =	sst s2  }
0x5: {  	s6 =	sshll.u32 s1, $0x12;
	s7 =	sand.u32 $0x1, s3;
	s3 =	sadd.s32 $0x400, s4  }
0x6: {  	s8 =	sshll.u32 s1, $0xB;
	_ =	strace $0x80000047;
	s4 =	sadd.s32 s6, s4  }
0x7: {  	s28 =	ssub.s32 $0x2, s7;
	s9 =	sshll.u32 s7, $0xA;
	s7 =	sshll.u32 s7, $0x11  }
0x8: {  	s8 =	sor.u32 s9, s8;
	s29 =	sshrl.u32 s28, $0x1;
	s4 =	sadd.s32 s7, s4  }
0x9: {  	s7 =	simm.s32 $0x1;
	s6 =	ssub.s32 s28, s29;
	s30 =	sshrl.u32 s8, $0x3  }
0xa: {  	s31 =	sadd.s32 $0x600, s4;
	s8 =	simm.s32 $0x0;
	s4 =	sadd.s32 s5, s30  }
0xb: {  	s5 =	smax.u32 s6, $0x1;
	[dreg:$0x3] =	wrdreg s31;
	s6 =	simm.s32 $0x2  }
.LBB2_1:
0xc: {  	[tilespmem:s2], [sflag:$0x2] =	stream.linear.gather [hbm4b:s3+s2], $0x1000, $0x38;
	[tilespmem:$0x1400] =	vst v63  }
0xd: {  	_ =	swait.ge [sflag:s6], $0x1000  }
0xe: {  	[sflag:s6] =	ssyncset.done $0x0  }
0xf: {  	s9 =	simm.s32 $0x1000;
	[sflag:s6] =	ssyncadd.s32 $0xFFFFF000  }
0x10: {  	[tilespmem:s9], [sflag:$0x2] =	stream.linear.gather [hbm4b:s4+s2], $0x400, $0x38;
	[tilespmem:$0x1400] =	vst v63  }
0x11: {  	_ =	swait.ge [sflag:s6], $0x400  }
0x12: {  	[sflag:s6] =	ssyncset.done $0x0  }
0x13: {  	[sflag:s6] =	ssyncadd.s32 $0xFFFFFC00  }
0x14: {  	v0 =	vld [tilespmem:s9+$0x0];
	_ =	sdelay $0x4  }
0x15: {  	v0 =	vshll.u32 v0, $0xC  }
0x16: {  	v0 =	vshra.s32 v0, $0x2  }
0x17: {  	(v2sf) =	vpush v0, $0x0;
	_ =	sdelay $0x1  }
0x18: {  	(v2sf) =	vpush v0, $0x1;
	_ =	sdelay $0x1  }
0x19: {  	(v2sf) =	vpush v0, $0x2;
	_ =	sdelay $0x1  }
0x1a: {  	(v2sf) =	vpush v0, $0x3;
	_ =	sdelay $0x1  }
0x1b: {  	(v2sf) =	vpush v0, $0x4;
	_ =	sdelay $0x1  }
0x1c: {  	(v2sf) =	vpush v0, $0x5;
	_ =	sdelay $0x1  }
0x1d: {  	(v2sf) =	vpush v0, $0x6;
	_ =	sdelay $0x1  }
0x1e: {  	s22 =	rddreg [dreg:$0x3];
	(v2sf) =	vpush v0, $0x7  }
0x1f: {  	s10 =	sadd.s32 $0x0, s22;
	s23 =	spop (v2sf)  }
0x20: {  	(v2sf) =	vpush v0, $0x8;
	[hbm4b:s10+s2] =	stream.linear.scatter [tilespmem:s23], [sflag:$0x1], $0x400, $0x38;
	[tilespmem:$0x1400] =	vst v63  }
0x21: {  	s24 =	sadd.s32 $0x80, s10;
	s11 =	spop (v2sf);
	(v2sf) =	vpush v0, $0x9  }
0x22: {  	[hbm4b:s24+s2] =	stream.linear.scatter [tilespmem:s11], [sflag:$0x1], $0x400, $0x38;
	[tilespmem:$0x1400] =	vst v63  }
0x23: {  	s25 =	sadd.s32 $0x100, s10;
	s26 =	spop (v2sf);
	(v2sf) =	vpush v0, $0xA  }
0x24: {  	[hbm4b:s25+s2] =	stream.linear.scatter [tilespmem:s26], [sflag:$0x1], $0x400, $0x38;
	[tilespmem:$0x1400] =	vst v63  }
0x25: {  	s28 =	sadd.s32 $0x180, s10;
	s29 =	spop (v2sf);
	(v2sf) =	vpush v0, $0xB  }
0x26: {  	[hbm4b:s28+s2] =	stream.linear.scatter [tilespmem:s29], [sflag:$0x1], $0x400, $0x38;
	[tilespmem:$0x1400] =	vst v63  }
0x27: {  	s30 =	sadd.s32 $0x200, s10;
	s31 =	spop (v2sf);
	(v2sf) =	vpush v0, $0xC  }
0x28: {  	[hbm4b:s30+s2] =	stream.linear.scatter [tilespmem:s31], [sflag:$0x1], $0x400, $0x38;
	[tilespmem:$0x1400] =	vst v63  }
0x29: {  	s11 =	sadd.s32 $0x280, s10;
	s12 =	spop (v2sf);
	(v2sf) =	vpush v0, $0xD  }
0x2a: {  	[hbm4b:s11+s2] =	stream.linear.scatter [tilespmem:s12], [sflag:$0x1], $0x400, $0x38;
	[tilespmem:$0x1400] =	vst v63  }
0x2b: {  	s13 =	sadd.s32 $0x300, s10;
	s14 =	spop (v2sf);
	(v2sf) =	vpush v0, $0xE  }
0x2c: {  	[hbm4b:s13+s2] =	stream.linear.scatter [tilespmem:s14], [sflag:$0x1], $0x400, $0x38;
	[tilespmem:$0x1400] =	vst v63  }
0x2d: {  	s15 =	sadd.s32 $0x380, s10;
	s16 =	spop (v2sf);
	(v2sf) =	vpush v0, $0xF  }
0x2e: {  	[hbm4b:s15+s2] =	stream.linear.scatter [tilespmem:s16], [sflag:$0x1], $0x400, $0x38;
	[tilespmem:$0x1400] =	vst v63  }
0x2f: {  	s18 =	spop (v2sf)  }
0x30: {  	s17 =	sadd.s32 $0x400, s10;
	s20 =	spop (v2sf)  }
0x31: {  	[hbm4b:s17+s2] =	stream.linear.scatter [tilespmem:s18], [sflag:$0x1], $0x400, $0x38;
	[tilespmem:$0x1400] =	vst v63  }
0x32: {  	s19 =	sadd.s32 $0x480, s10;
	s22 =	spop (v2sf)  }
0x33: {  	[hbm4b:s19+s2] =	stream.linear.scatter [tilespmem:s20], [sflag:$0x1], $0x400, $0x38;
	[tilespmem:$0x1400] =	vst v63  }
0x34: {  	s21 =	sadd.s32 $0x500, s10;
	s24 =	spop (v2sf)  }
0x35: {  	[hbm4b:s21+s2] =	stream.linear.scatter [tilespmem:s22], [sflag:$0x1], $0x400, $0x38;
	[tilespmem:$0x1400] =	vst v63  }
0x36: {  	s23 =	sadd.s32 $0x580, s10;
	s26 =	spop (v2sf)  }
0x37: {  	[hbm4b:s23+s2] =	stream.linear.scatter [tilespmem:s24], [sflag:$0x1], $0x400, $0x38;
	[tilespmem:$0x1400] =	vst v63  }
0x38: {  	s9 =	simm.s32 $0x800;
	s25 =	sadd.s32 $0x600, s10;
	s29 =	spop (v2sf)  }
0x39: {  	[hbm4b:s25+s2] =	stream.linear.scatter [tilespmem:s26], [sflag:$0x1], $0x400, $0x38;
	[tilespmem:$0x1400] =	vst v63  }
0x3a: {  	s28 =	sadd.s32 $0x680, s10;
	s30 =	sadd.s32 $0x700, s10;
	s31 =	spop (v2sf)  }
0x3b: {  	[hbm4b:s28+s2] =	stream.linear.scatter [tilespmem:s29], [sflag:$0x1], $0x400, $0x38;
	[tilespmem:$0x1400] =	vst v63  }
0x3c: {  	s11 =	sadd.s32 $0x780, s10;
	s10 =	simm.s32 $0x1010;
	s12 =	spop (v2sf)  }
0x3d: {  	[hbm4b:s30+s2] =	stream.linear.scatter [tilespmem:s31], [sflag:$0x1], $0x400, $0x38;
	[tilespmem:$0x1400] =	vst v63  }
.LBB2_2:
0x3e: {  	[hbm4b:s11+s2] =	stream.linear.scatter [tilespmem:s12], [sflag:$0x1], $0x400, $0x38;
	[tilespmem:$0x1400] =	vst v63  }
0x3f: {  	v0 =	vld [tilespmem:s10+$0x0];
	_ =	sdelay $0x4  }
0x40: {  	v0 =	vshll.u32 v0, $0xC  }
0x41: {  	v0 =	vshra.s32 v0, $0x2  }
0x42: {  	(v2sf) =	vpush v0, $0x0;
	_ =	sdelay $0x1  }
0x43: {  	(v2sf) =	vpush v0, $0x1;
	_ =	sdelay $0x1  }
0x44: {  	(v2sf) =	vpush v0, $0x2;
	_ =	sdelay $0x1  }
0x45: {  	(v2sf) =	vpush v0, $0x3;
	_ =	sdelay $0x1  }
0x46: {  	(v2sf) =	vpush v0, $0x4;
	_ =	sdelay $0x1  }
0x47: {  	(v2sf) =	vpush v0, $0x5;
	_ =	sdelay $0x1  }
0x48: {  	(v2sf) =	vpush v0, $0x6;
	_ =	sdelay $0x1  }
0x49: {  	s19 =	smov.u32 s9;
	s20 =	rddreg [dreg:$0x3];
	(v2sf) =	vpush v0, $0x7  }
0x4a: {  	s11 =	sadd.s32 s19, s20;
	s21 =	spop (v2sf)  }
0x4b: {  	(v2sf) =	vpush v0, $0x8;
	[hbm4b:s11+s2] =	stream.linear.scatter [tilespmem:s21], [sflag:$0x1], $0x400, $0x38;
	[tilespmem:$0x1400] =	vst v63  }
0x4c: {  	s22 =	sadd.s32 $0x80, s11;
	s13 =	spop (v2sf)  }
0x4d: {  	(v2sf) =	vpush v0, $0x9;
	[hbm4b:s22+s2] =	stream.linear.scatter [tilespmem:s13], [sflag:$0x1], $0x400, $0x38;
	[tilespmem:$0x1400] =	vst v63  }
0x4e: {  	s23 =	sadd.s32 $0x100, s11;
	s24 =	spop (v2sf)  }
0x4f: {  	(v2sf) =	vpush v0, $0xA;
	[hbm4b:s23+s2] =	stream.linear.scatter [tilespmem:s24], [sflag:$0x1], $0x400, $0x38;
	[tilespmem:$0x1400] =	vst v63  }
0x50: {  	s25 =	sadd.s32 $0x180, s11;
	s26 =	spop (v2sf)  }
0x51: {  	(v2sf) =	vpush v0, $0xB;
	[hbm4b:s25+s2] =	stream.linear.scatter [tilespmem:s26], [sflag:$0x1], $0x400, $0x38;
	[tilespmem:$0x1400] =	vst v63  }
0x52: {  	s28 =	sadd.s32 $0x200, s11;
	s29 =	spop (v2sf)  }
0x53: {  	(v2sf) =	vpush v0, $0xC;
	[hbm4b:s28+s2] =	stream.linear.scatter [tilespmem:s29], [sflag:$0x1], $0x400, $0x38;
	[tilespmem:$0x1400] =	vst v63  }
0x54: {  	s30 =	sadd.s32 $0x280, s11;
	s31 =	spop (v2sf)  }
0x55: {  	(v2sf) =	vpush v0, $0xD;
	[hbm4b:s30+s2] =	stream.linear.scatter [tilespmem:s31], [sflag:$0x1], $0x400, $0x38;
	[tilespmem:$0x1400] =	vst v63  }
0x56: {  	s13 =	sadd.s32 $0x300, s11;
	s14 =	spop (v2sf);
	(v2sf) =	vpush v0, $0xE  }
0x57: {  	[hbm4b:s13+s2] =	stream.linear.scatter [tilespmem:s14], [sflag:$0x1], $0x400, $0x38;
	[tilespmem:$0x1400] =	vst v63  }
0x58: {  	s15 =	sadd.s32 $0x380, s11;
	s16 =	spop (v2sf);
	(v2sf) =	vpush v0, $0xF  }
0x59: {  	[hbm4b:s15+s2] =	stream.linear.scatter [tilespmem:s16], [sflag:$0x1], $0x400, $0x38;
	[tilespmem:$0x1400] =	vst v63  }
0x5a: {  	s17 =	sadd.s32 $0x400, s11;
	s18 =	spop (v2sf)  }
0x5b: {  	[hbm4b:s17+s2] =	stream.linear.scatter [tilespmem:s18], [sflag:$0x1], $0x400, $0x38;
	[tilespmem:$0x1400] =	vst v63  }
0x5c: {  	s19 =	sadd.s32 $0x480, s11;
	s20 =	spop (v2sf)  }
0x5d: {  	[hbm4b:s19+s2] =	stream.linear.scatter [tilespmem:s20], [sflag:$0x1], $0x400, $0x38;
	[tilespmem:$0x1400] =	vst v63  }
0x5e: {  	s21 =	sadd.s32 $0x500, s11;
	s22 =	spop (v2sf)  }
0x5f: {  	[hbm4b:s21+s2] =	stream.linear.scatter [tilespmem:s22], [sflag:$0x1], $0x400, $0x38;
	[tilespmem:$0x1400] =	vst v63  }
0x60: {  	s23 =	sadd.s32 $0x580, s11;
	s24 =	spop (v2sf)  }
0x61: {  	[hbm4b:s23+s2] =	stream.linear.scatter [tilespmem:s24], [sflag:$0x1], $0x400, $0x38;
	[tilespmem:$0x1400] =	vst v63  }
0x62: {  	p0 =	sne.s32 s9, $0x1F800;
	s25 =	sadd.s32 $0x600, s11;
	s26 =	spop (v2sf)  }
0x63: {  	[hbm4b:s25+s2] =	stream.linear.scatter [tilespmem:s26], [sflag:$0x1], $0x400, $0x38;
	[tilespmem:$0x1400] =	vst v63  }
.Ltmp0:
0x64: {  	s9 =	sadd.s32 $0x800, s9;
	s29 =	spop (v2sf);
	(pc) =	sbr.rel @p0 .LBB2_2-.Ltmp0, $4  }
0x65: {  	s10 =	sadd.s32 $0x10, s10;
	s28 =	sadd.s32 $0x680, s11;
	s31 =	spop (v2sf)  }
0x66: {  	[hbm4b:s28+s2] =	stream.linear.scatter [tilespmem:s29], [sflag:$0x1], $0x400, $0x38;
	[tilespmem:$0x1400] =	vst v63  }
0x67: {  	s30 =	sadd.s32 $0x700, s11;
	s11 =	sadd.s32 $0x780, s11;
	s12 =	spop (v2sf)  }
0x68: {  	[hbm4b:s30+s2] =	stream.linear.scatter [tilespmem:s31], [sflag:$0x1], $0x400, $0x38;
	[tilespmem:$0x1400] =	vst v63  }
0x69: {  	[hbm4b:s11+s2] =	stream.linear.scatter [tilespmem:s12], [sflag:$0x1], $0x400, $0x38;
	[tilespmem:$0x1400] =	vst v63  }
0x6a: {  	_ =	swait.ge [sflag:s7], $0x10000  }
0x6b: {  	[sflag:s7] =	ssyncset.done $0x0  }
0x6c: {  	[sflag:s7] =	ssyncadd.s32 $0xFFFF0000  }
0x6d: {  	_ =	swait.ge [sflag:s7], $0x10000  }
0x6e: {  	[sflag:s7] =	ssyncset.done $0x0  }
0x6f: {  	[sflag:s7] =	ssyncadd.s32 $0xFFFF0000  }
0x70: {  	_ =	swait.ge [sflag:s7], $0x10000  }
0x71: {  	[sflag:s7] =	ssyncset.done $0x0  }
0x72: {  	[sflag:s7] =	ssyncadd.s32 $0xFFFF0000  }
0x73: {  	_ =	swait.ge [sflag:s7], $0x10000  }
0x74: {  	[sflag:s7] =	ssyncset.done $0x0  }
0x75: {  	[sflag:s7] =	ssyncadd.s32 $0xFFFF0000  }
0x76: {  	_ =	swait.ge [sflag:s7], $0x10000  }
0x77: {  	[sflag:s7] =	ssyncset.done $0x0  }
0x78: {  	[sflag:s7] =	ssyncadd.s32 $0xFFFF0000  }
0x79: {  	_ =	swait.ge [sflag:s7], $0x10000  }
0x7a: {  	[sflag:s7] =	ssyncset.done $0x0  }
0x7b: {  	[sflag:s7] =	ssyncadd.s32 $0xFFFF0000  }
0x7c: {  	_ =	swait.ge [sflag:s7], $0x10000  }
0x7d: {  	[sflag:s7] =	ssyncset.done $0x0  }
0x7e: {  	[sflag:s7] =	ssyncadd.s32 $0xFFFF0000  }
0x7f: {  	_ =	swait.ge [sflag:s7], $0x10000  }
0x80: {  	[sflag:s7] =	ssyncset.done $0x0  }
0x81: {  	[sflag:s7] =	ssyncadd.s32 $0xFFFF0000  }
0x82: {  	_ =	swait.ge [sflag:s7], $0x10000  }
0x83: {  	[sflag:s7] =	ssyncset.done $0x0  }
0x84: {  	[sflag:s7] =	ssyncadd.s32 $0xFFFF0000  }
0x85: {  	_ =	swait.ge [sflag:s7], $0x10000  }
0x86: {  	[sflag:s7] =	ssyncset.done $0x0  }
0x87: {  	[sflag:s7] =	ssyncadd.s32 $0xFFFF0000  }
0x88: {  	_ =	swait.ge [sflag:s7], $0x10000  }
0x89: {  	[sflag:s7] =	ssyncset.done $0x0  }
0x8a: {  	[sflag:s7] =	ssyncadd.s32 $0xFFFF0000  }
0x8b: {  	_ =	swait.ge [sflag:s7], $0x10000  }
0x8c: {  	[sflag:s7] =	ssyncset.done $0x0  }
0x8d: {  	[sflag:s7] =	ssyncadd.s32 $0xFFFF0000  }
0x8e: {  	_ =	swait.ge [sflag:s7], $0x10000  }
0x8f: {  	[sflag:s7] =	ssyncset.done $0x0  }
0x90: {  	[sflag:s7] =	ssyncadd.s32 $0xFFFF0000  }
0x91: {  	_ =	swait.ge [sflag:s7], $0x10000  }
0x92: {  	[sflag:s7] =	ssyncset.done $0x0  }
0x93: {  	s8 =	sadd.s32 $0x1, s8;
	[sflag:s7] =	ssyncadd.s32 $0xFFFF0000  }
0x94: {  	p0 =	sne.s32 s8, s5;
	_ =	swait.ge [sflag:s7], $0x10000  }
.Ltmp1:
0x95: {  	[sflag:s7] =	ssyncset.done $0x0;
	(pc) =	sbr.rel @p0 .LBB2_1-.Ltmp1, $4  }
0x96: {  	[sflag:s7] =	ssyncadd.s32 $0xFFFF0000  }
0x97: {  	_ =	swait.ge [sflag:s7], $0x10000  }
0x98: {  	[sflag:s7] =	ssyncset.done $0x0  }
0x99: {  	[sflag:s7] =	ssyncadd.s32 $0xFFFF0000  }
0x9a: {  	_ =	sfence.sel $0x180000  }
0x9b: {  	[bflag:$0x0] =	sbarrier.arrive $0xFFFF  }
0x9c: {  	p0 =	sne.s32 s1, $0x0;
	_ =	strace $0x90000047  }
0x9d: {  	s0 =	sadd.s32 @!p0 $0x100000, s0;
	[bflag:$0x2] =	sbarrier.arrive $0xFFFF  }
0x9e: {  	[sflag:s0] =	ssyncadd.tile.s32 @!p0 $0x1;
	_ =	shalt  }
.Lfunc_end2:
_tile_overlayer_lowered:
.L_overlay_start_2:
0x9f: {  	(tag) =	ssettag $0x2  }
0xa0: {  	s0 =	rddreg [dreg:$0x0];
	s2 =	stileid.u32  }
0xa1: {  	s1 =	rddreg [dreg:$0x1];
	p0 =	sne.s32 s2, $0x0  }
0xa2: {  	s3 =	rddreg [dreg:$0x2];
	[bflag:$0x3] =	sbarrier.arrive $0xFFFF;
	s2 =	simm.s32 @!p0 $0x1C02  }
0xa3: {  	[timem:s3], [sflag:s2] =	dma.local @!p0 [hbm:s0], s1  }
0xa4: {  	s0 =	simm.s32 @!p0 $0x2  }
0xa5: {  	_ =	swait.ge @!p0 [sflag:s0], s1  }
0xa6: {  	s1 =	ssub.s32 @!p0 $0x0, s1;
	[sflag:s0] =	ssyncset.done @!p0 $0x0  }
0xa7: {  	[sflag:s0] =	ssyncadd.s32 @!p0 s1  }
0xa8: {  	[bflag:$0x3] =	sbarrier.arrive $0xFFFF  }
0xa9: {  	_ =	shalt  }

</sc_bundles>
